<compile_context>
chip_gen: v7x
topology: tpu7x:2x2x1
jax: 0.10.2.dev20260603
libtpu: 0.0.44.dev20260713+nightly
codegen_flags: <defaults>
</compile_context>

<pallas_src>
import functools

import jax
import jax.numpy as jnp
from jax import lax
from jax.experimental import pallas as pl
from jax.experimental.pallas import tpu as pltpu
from jax.experimental.pallas import tpu_sc as plsc

NUM_CORES = 2
NUM_SUBCORES = 16
NW = NUM_CORES * NUM_SUBCORES

D = 128
CHUNK = 128
EPS = 1e-4


def _rsqrt_vec(m):
    i = lax.bitcast_convert_type(m, jnp.int32)
    y = lax.bitcast_convert_type(jnp.int32(0x5F3759DF) - (i >> 1),
                                 jnp.float32)
    for _ in range(3):
        y = y * (1.5 - 0.5 * m * y * y)
    return y


def _sc_embed(n_total):
    per_w = n_total // NW
    n_chunks = per_w // CHUNK
    mesh = plsc.VectorSubcoreMesh(
        core_axis_name="c", subcore_axis_name="s",
        num_cores=NUM_CORES, num_subcores=NUM_SUBCORES)

    @functools.partial(
        pl.kernel,
        out_type=jax.ShapeDtypeStruct((n_total, D), jnp.float32),
        mesh=mesh,
        scratch_types=[
            pltpu.VMEM((n_chunks, CHUNK), jnp.int32),
            pltpu.VMEM((CHUNK, D), jnp.float32),
            pltpu.SemaphoreType.DMA,
        ],
    )
    def k(idx_hbm, table_hbm, out_hbm, idx_v, rows_v, sem):
        wid = lax.axis_index("s") * NUM_CORES + lax.axis_index("c")
        pltpu.sync_copy(idx_hbm.at[wid], idx_v)
        lanes = lax.iota(jnp.int32, 16)

        def chunk_body(j, carry):
            pltpu.async_copy(table_hbm.at[idx_v.at[j]], rows_v, sem).wait()

            def row_body(r, c):
                vs = [rows_v[r, pl.ds(16 * q, 16)] for q in range(8)]
                acc = vs[0] * vs[0]
                for q in range(1, 8):
                    acc = acc + vs[q] * vs[q]
                for sh in (8, 4, 2, 1):
                    acc = acc + acc.at[lanes ^ sh].get(
                        mode="promise_in_bounds")
                y = _rsqrt_vec(acc * (1.0 / D) + EPS)
                for q in range(8):
                    rows_v[r, pl.ds(16 * q, 16)] = vs[q] * y
                return c

            lax.fori_loop(0, CHUNK, row_body, 0)
            pltpu.sync_copy(
                rows_v, out_hbm.at[pl.ds(wid * per_w + j * CHUNK, CHUNK)])
            return carry

        lax.fori_loop(0, n_chunks, chunk_body, 0)

    return k


def kernel(x, weight):
    b, s = x.shape
    n_total = b * s
    idx = x.astype(jnp.int32).reshape(NW, (n_total // NW) // CHUNK, CHUNK)
    out = _sc_embed(n_total)(idx, weight)
    return out.reshape(b, s, weight.shape[1])

# --- scband reference (transcript-rebuilt; emitter-appended) ---
"""Pipeline reference for scband-mpembedding-21981642621030 (READ-ONLY COPY).

The authoritative reference and input builder live on the scoring server;
editing this copy changes nothing except your own understanding.
"""

import jax, jax.numpy as jnp
import numpy as np

NUM_EMBEDDINGS = 100000
EMBEDDING_DIM = 128

def rms_norm(w, eps=1e-4):
    # RMS normalise each row (last dim) to unit RMS, matching magnitude-preserving layers
    return w * jax.lax.rsqrt(jnp.mean(jnp.square(w), axis=-1, keepdims=True) + eps)

def unit_norm(w, eps=1e-4):
    return rms_norm(w, eps)

def setup_inputs(seed: int = 0) -> dict:
    key = jax.random.key(seed)
    k1, k2 = jax.random.split(key)
    x = jax.random.randint(k1, (4096, 50), 0, NUM_EMBEDDINGS, dtype=jnp.int64 if jax.config.jax_enable_x64 else jnp.int32)
    weight = unit_norm(jax.random.normal(k2, (NUM_EMBEDDINGS, EMBEDDING_DIM), dtype=jnp.float32))
    return {"x": x, "weight": weight}

def reference(x, weight):
    # forward: F.embedding(x, rms_norm(weight))
    normed = rms_norm(weight)
    return jnp.take(normed, x, axis=0)

if __name__ == "__main__":
    import jax
    _d = setup_inputs()
    print(jax.jit(kernel)(*tuple(_d.values())))

</pallas_src>

<mosaic_0001>
#map = affine_map<(d0, d1) -> (0, 0, 0)>
#map1 = affine_map<(d0, d1) -> (0, 0)>
module attributes {stable_mosaic.version = 14 : i64} {
  func.func @k(%arg0: i32, %arg1: i32, %arg2: memref<32x50x128xi32, #tpu.memory_space<hbm>>, %arg3: memref<100000x128xf32, #tpu.memory_space<hbm>>, %arg4: memref<204800x128xf32, #tpu.memory_space<hbm>>, %arg5: memref<50x128xi32, #tpu.memory_space<vmem>>, %arg6: memref<128x128xf32, #tpu.memory_space<vmem>>, %arg7: memref<!tpu.dma_semaphore, #tpu.memory_space<semaphore_mem>>) attributes {dimension_semantics = [#tpu.dimension_semantics<core_parallel>, #tpu.dimension_semantics<subcore_parallel>], iteration_bounds = array<i64: 2, 16>, scalar_prefetch = 0 : i64, scratch_operands = 3 : i64, tpu.core_type = #tpu.core_type<sc_vector_subcore>, window_params = [{transform_indices = #map}, {transform_indices = #map1}, {transform_indices = #map1}]} {
    %mul3A = arith.constant 2 : i32
    %mul3A_0 = arith.muli %arg1, %mul3A : i32
    %add3A = arith.addi %mul3A_0, %arg0 : i32
    "tpu.region"() ({
      %run_scoped3A = tpu.sem_alloc : memref<!tpu.dma_semaphore, #tpu.memory_space<semaphore_mem>>
      %dma_start3A = arith.constant 0 : i32
      %dma_start3A_6 = arith.constant 0 : i32
      %dma_start3A_7 = tpu.memref_slice %arg2[%add3A, %dma_start3A, %dma_start3A_6] : memref<32x50x128xi32, #tpu.memory_space<hbm>> -> memref<1x50x128xi32, #tpu.memory_space<hbm>>
      %dma_start3A_8 = tpu.memref_squeeze %dma_start3A_7 : memref<1x50x128xi32, #tpu.memory_space<hbm>> -> memref<50x128xi32, #tpu.memory_space<hbm>>
      %dma_start3A_9 = arith.constant 0 : i32
      %dma_start3A_10 = arith.constant 0 : i32
      %dma_start3A_11 = tpu.memref_slice %arg2[%add3A, %dma_start3A_9, %dma_start3A_10] : memref<32x50x128xi32, #tpu.memory_space<hbm>> -> memref<1x50x128xi32, #tpu.memory_space<hbm>>
      %dma_start3A_12 = tpu.memref_squeeze %dma_start3A_11 : memref<1x50x128xi32, #tpu.memory_space<hbm>> -> memref<50x128xi32, #tpu.memory_space<hbm>>
      tpu.enqueue_dma source(%dma_start3A_12 : memref<50x128xi32, #tpu.memory_space<hbm>>) target(%arg5 : memref<50x128xi32, #tpu.memory_space<vmem>>) target_semaphore(%run_scoped3A : memref<!tpu.dma_semaphore, #tpu.memory_space<semaphore_mem>>)
      %dma_wait3A = arith.constant 0 : i32
      %dma_wait3A_13 = arith.constant 0 : i32
      %dma_wait3A_14 = tpu.memref_slice %arg2[%add3A, %dma_wait3A, %dma_wait3A_13] : memref<32x50x128xi32, #tpu.memory_space<hbm>> -> memref<1x50x128xi32, #tpu.memory_space<hbm>>
      %dma_wait3A_15 = tpu.memref_squeeze %dma_wait3A_14 : memref<1x50x128xi32, #tpu.memory_space<hbm>> -> memref<50x128xi32, #tpu.memory_space<hbm>>
      %dma_wait3A_16 = arith.constant 0 : i32
      %dma_wait3A_17 = arith.constant 0 : i32
      %dma_wait3A_18 = tpu.memref_slice %arg2[%add3A, %dma_wait3A_16, %dma_wait3A_17] : memref<32x50x128xi32, #tpu.memory_space<hbm>> -> memref<1x50x128xi32, #tpu.memory_space<hbm>>
      %dma_wait3A_19 = tpu.memref_squeeze %dma_wait3A_18 : memref<1x50x128xi32, #tpu.memory_space<hbm>> -> memref<50x128xi32, #tpu.memory_space<hbm>>
      tpu.wait_dma2 semaphore(%run_scoped3A : memref<!tpu.dma_semaphore, #tpu.memory_space<semaphore_mem>>) src(%dma_wait3A_19 : memref<50x128xi32, #tpu.memory_space<hbm>>) dst(%arg5 : memref<50x128xi32, #tpu.memory_space<vmem>>)
      tpu.yield
    }) : () -> ()
    %iota3A = tpu.iota {dimensions = array<i32: 0>} : vector<16xi32>
    %scan3A = arith.constant 0 : i32
    %scan3A_1 = arith.constant 0 : i32
    %scan3A_2 = arith.constant 50 : i32
    %scan3A_3 = arith.addi %scan3A_1, %scan3A_2 : i32
    %scan3A_4 = arith.constant 1 : i32
    scf.for %scan3A_6 = %scan3A_1 to %scan3A_3 step %scan3A_4  : i32 {
      %dma_start3A = arith.constant 0 : i32
      %dma_start3A_7 = tpu.memref_slice %arg5[%scan3A_6, %dma_start3A] : memref<50x128xi32, #tpu.memory_space<vmem>> -> memref<1x128xi32, #tpu.memory_space<vmem>>
      %dma_start3A_8 = tpu.memref_squeeze %dma_start3A_7 : memref<1x128xi32, #tpu.memory_space<vmem>> -> memref<128xi32, #tpu.memory_space<vmem>>
      %dma_start3A_9 = arith.constant 0 : i32
      %dma_start3A_10 = arith.constant 0 : i32
      %dma_start3A_11 = tpu.memref_slice %arg3[%dma_start3A_9, %dma_start3A_10] : memref<100000x128xf32, #tpu.memory_space<hbm>> -> memref<100000x128xf32, #tpu.memory_space<hbm>>
      tpu.enqueue_indirect_dma source(%dma_start3A_11 : memref<100000x128xf32, #tpu.memory_space<hbm>>) target(%arg6 : memref<128x128xf32, #tpu.memory_space<vmem>>) offsets(%dma_start3A_8 : memref<128xi32, #tpu.memory_space<vmem>>) semaphore(%arg7 : memref<!tpu.dma_semaphore, #tpu.memory_space<semaphore_mem>>)
      %dma_wait3A = arith.constant 0 : i32
      %dma_wait3A_12 = tpu.memref_slice %arg5[%scan3A_6, %dma_wait3A] : memref<50x128xi32, #tpu.memory_space<vmem>> -> memref<1x128xi32, #tpu.memory_space<vmem>>
      %dma_wait3A_13 = tpu.memref_squeeze %dma_wait3A_12 : memref<1x128xi32, #tpu.memory_space<vmem>> -> memref<128xi32, #tpu.memory_space<vmem>>
      %dma_wait3A_14 = arith.constant 0 : i32
      %dma_wait3A_15 = arith.constant 0 : i32
      %dma_wait3A_16 = tpu.memref_slice %arg3[%dma_wait3A_14, %dma_wait3A_15] : memref<100000x128xf32, #tpu.memory_space<hbm>> -> memref<100000x128xf32, #tpu.memory_space<hbm>>
      tpu.wait_indirect_dma semaphore(%arg7 : memref<!tpu.dma_semaphore, #tpu.memory_space<semaphore_mem>>) src(%dma_wait3A_16 : memref<100000x128xf32, #tpu.memory_space<hbm>>) dst(%arg6 : memref<128x128xf32, #tpu.memory_space<vmem>>)
      %scan3A_17 = arith.constant 0 : i32
      %scan3A_18 = arith.constant 0 : i32
      %scan3A_19 = arith.constant 128 : i32
      %scan3A_20 = arith.addi %scan3A_18, %scan3A_19 : i32
      %scan3A_21 = arith.constant 1 : i32
      scf.for %scan3A_28 = %scan3A_18 to %scan3A_20 step %scan3A_21  : i32 {
        %get3A = arith.index_cast %scan3A_28 : i32 to index
        %get3A_29 = arith.constant 0 : index
        %get3A_30 = tpu.vector_load %arg6[%get3A, %get3A_29] {strides = array<i32>} : memref<128x128xf32, #tpu.memory_space<vmem>>, vector<1x16xf32>,
        %get3A_31 = vector.shape_cast %get3A_30 : vector<1x16xf32> to vector<16xf32>
        %get3A_32 = arith.index_cast %scan3A_28 : i32 to index
        %get3A_33 = arith.constant 16 : index
        %get3A_34 = tpu.vector_load %arg6[%get3A_32, %get3A_33] {strides = array<i32>} : memref<128x128xf32, #tpu.memory_space<vmem>>, vector<1x16xf32>,
        %get3A_35 = vector.shape_cast %get3A_34 : vector<1x16xf32> to vector<16xf32>
        %get3A_36 = arith.index_cast %scan3A_28 : i32 to index
        %get3A_37 = arith.constant 32 : index
        %get3A_38 = tpu.vector_load %arg6[%get3A_36, %get3A_37] {strides = array<i32>} : memref<128x128xf32, #tpu.memory_space<vmem>>, vector<1x16xf32>,
        %get3A_39 = vector.shape_cast %get3A_38 : vector<1x16xf32> to vector<16xf32>
        %get3A_40 = arith.index_cast %scan3A_28 : i32 to index
        %get3A_41 = arith.constant 48 : index
        %get3A_42 = tpu.vector_load %arg6[%get3A_40, %get3A_41] {strides = array<i32>} : memref<128x128xf32, #tpu.memory_space<vmem>>, vector<1x16xf32>,
        %get3A_43 = vector.shape_cast %get3A_42 : vector<1x16xf32> to vector<16xf32>
        %get3A_44 = arith.index_cast %scan3A_28 : i32 to index
        %get3A_45 = arith.constant 64 : index
        %get3A_46 = tpu.vector_load %arg6[%get3A_44, %get3A_45] {strides = array<i32>} : memref<128x128xf32, #tpu.memory_space<vmem>>, vector<1x16xf32>,
        %get3A_47 = vector.shape_cast %get3A_46 : vector<1x16xf32> to vector<16xf32>
        %get3A_48 = arith.index_cast %scan3A_28 : i32 to index
        %get3A_49 = arith.constant 80 : index
        %get3A_50 = tpu.vector_load %arg6[%get3A_48, %get3A_49] {strides = array<i32>} : memref<128x128xf32, #tpu.memory_space<vmem>>, vector<1x16xf32>,
        %get3A_51 = vector.shape_cast %get3A_50 : vector<1x16xf32> to vector<16xf32>
        %get3A_52 = arith.index_cast %scan3A_28 : i32 to index
        %get3A_53 = arith.constant 96 : index
        %get3A_54 = tpu.vector_load %arg6[%get3A_52, %get3A_53] {strides = array<i32>} : memref<128x128xf32, #tpu.memory_space<vmem>>, vector<1x16xf32>,
        %get3A_55 = vector.shape_cast %get3A_54 : vector<1x16xf32> to vector<16xf32>
        %get3A_56 = arith.index_cast %scan3A_28 : i32 to index
        %get3A_57 = arith.constant 112 : index
        %get3A_58 = tpu.vector_load %arg6[%get3A_56, %get3A_57] {strides = array<i32>} : memref<128x128xf32, #tpu.memory_space<vmem>>, vector<1x16xf32>,
        %get3A_59 = vector.shape_cast %get3A_58 : vector<1x16xf32> to vector<16xf32>
        %mul3A_60 = arith.mulf %get3A_31, %get3A_31 : vector<16xf32>
        %mul3A_61 = arith.mulf %get3A_35, %get3A_35 : vector<16xf32>
        %add3A_62 = arith.addf %mul3A_60, %mul3A_61 : vector<16xf32>
        %mul3A_63 = arith.mulf %get3A_39, %get3A_39 : vector<16xf32>
        %add3A_64 = arith.addf %add3A_62, %mul3A_63 : vector<16xf32>
        %mul3A_65 = arith.mulf %get3A_43, %get3A_43 : vector<16xf32>
        %add3A_66 = arith.addf %add3A_64, %mul3A_65 : vector<16xf32>
        %mul3A_67 = arith.mulf %get3A_47, %get3A_47 : vector<16xf32>
        %add3A_68 = arith.addf %add3A_66, %mul3A_67 : vector<16xf32>
        %mul3A_69 = arith.mulf %get3A_51, %get3A_51 : vector<16xf32>
        %add3A_70 = arith.addf %add3A_68, %mul3A_69 : vector<16xf32>
        %mul3A_71 = arith.mulf %get3A_55, %get3A_55 : vector<16xf32>
        %add3A_72 = arith.addf %add3A_70, %mul3A_71 : vector<16xf32>
        %mul3A_73 = arith.mulf %get3A_59, %get3A_59 : vector<16xf32>
        %add3A_74 = arith.addf %add3A_72, %mul3A_73 : vector<16xf32>
        %xor3A = arith.constant 8 : i32
        %xor3A_75 = vector.broadcast %xor3A : i32 to vector<16xi32>
        %xor3A_76 = arith.xori %iota3A, %xor3A_75 : vector<16xi32>
        %lt3A = arith.constant 0 : i32
        %lt3A_77 = vector.broadcast %lt3A : i32 to vector<16xi32>
        %lt3A_78 = arith.cmpi slt, %xor3A_76, %lt3A_77 : vector<16xi32>
        %add3A_79 = arith.constant 16 : i32
        %add3A_80 = vector.broadcast %add3A_79 : i32 to vector<16xi32>
        %add3A_81 = arith.addi %xor3A_76, %add3A_80 : vector<16xi32>
        %select_n3A = arith.select %lt3A_78, %add3A_81, %xor3A_76 : vector<16xi1>, vector<16xi32>
        %broadcast_in_dim3A = vector.shape_cast %select_n3A : vector<16xi32> to vector<16x1xi32>
        %gather3A = vector.shape_cast %broadcast_in_dim3A : vector<16x1xi32> to vector<16xi32>
        %gather3A_82 = tpu.dynamic_gather %add3A_74[%gather3A] in [0] : vector<16xf32>, vector<16xi32> -> vector<16xf32>
        %add3A_83 = arith.addf %add3A_74, %gather3A_82 : vector<16xf32>
        %xor3A_84 = arith.constant 4 : i32
        %xor3A_85 = vector.broadcast %xor3A_84 : i32 to vector<16xi32>
        %xor3A_86 = arith.xori %iota3A, %xor3A_85 : vector<16xi32>
        %lt3A_87 = arith.constant 0 : i32
        %lt3A_88 = vector.broadcast %lt3A_87 : i32 to vector<16xi32>
        %lt3A_89 = arith.cmpi slt, %xor3A_86, %lt3A_88 : vector<16xi32>
        %add3A_90 = arith.constant 16 : i32
        %add3A_91 = vector.broadcast %add3A_90 : i32 to vector<16xi32>
        %add3A_92 = arith.addi %xor3A_86, %add3A_91 : vector<16xi32>
        %select_n3A_93 = arith.select %lt3A_89, %add3A_92, %xor3A_86 : vector<16xi1>, vector<16xi32>
        %broadcast_in_dim3A_94 = vector.shape_cast %select_n3A_93 : vector<16xi32> to vector<16x1xi32>
        %gather3A_95 = vector.shape_cast %broadcast_in_dim3A_94 : vector<16x1xi32> to vector<16xi32>
        %gather3A_96 = tpu.dynamic_gather %add3A_83[%gather3A_95] in [0] : vector<16xf32>, vector<16xi32> -> vector<16xf32>
        %add3A_97 = arith.addf %add3A_83, %gather3A_96 : vector<16xf32>
        %xor3A_98 = arith.constant 2 : i32
        %xor3A_99 = vector.broadcast %xor3A_98 : i32 to vector<16xi32>
        %xor3A_100 = arith.xori %iota3A, %xor3A_99 : vector<16xi32>
        %lt3A_101 = arith.constant 0 : i32
        %lt3A_102 = vector.broadcast %lt3A_101 : i32 to vector<16xi32>
        %lt3A_103 = arith.cmpi slt, %xor3A_100, %lt3A_102 : vector<16xi32>
        %add3A_104 = arith.constant 16 : i32
        %add3A_105 = vector.broadcast %add3A_104 : i32 to vector<16xi32>
        %add3A_106 = arith.addi %xor3A_100, %add3A_105 : vector<16xi32>
        %select_n3A_107 = arith.select %lt3A_103, %add3A_106, %xor3A_100 : vector<16xi1>, vector<16xi32>
        %broadcast_in_dim3A_108 = vector.shape_cast %select_n3A_107 : vector<16xi32> to vector<16x1xi32>
        %gather3A_109 = vector.shape_cast %broadcast_in_dim3A_108 : vector<16x1xi32> to vector<16xi32>
        %gather3A_110 = tpu.dynamic_gather %add3A_97[%gather3A_109] in [0] : vector<16xf32>, vector<16xi32> -> vector<16xf32>
        %add3A_111 = arith.addf %add3A_97, %gather3A_110 : vector<16xf32>
        %xor3A_112 = arith.constant 1 : i32
        %xor3A_113 = vector.broadcast %xor3A_112 : i32 to vector<16xi32>
        %xor3A_114 = arith.xori %iota3A, %xor3A_113 : vector<16xi32>
        %lt3A_115 = arith.constant 0 : i32
        %lt3A_116 = vector.broadcast %lt3A_115 : i32 to vector<16xi32>
        %lt3A_117 = arith.cmpi slt, %xor3A_114, %lt3A_116 : vector<16xi32>
        %add3A_118 = arith.constant 16 : i32
        %add3A_119 = vector.broadcast %add3A_118 : i32 to vector<16xi32>
        %add3A_120 = arith.addi %xor3A_114, %add3A_119 : vector<16xi32>
        %select_n3A_121 = arith.select %lt3A_117, %add3A_120, %xor3A_114 : vector<16xi1>, vector<16xi32>
        %broadcast_in_dim3A_122 = vector.shape_cast %select_n3A_121 : vector<16xi32> to vector<16x1xi32>
        %gather3A_123 = vector.shape_cast %broadcast_in_dim3A_122 : vector<16x1xi32> to vector<16xi32>
        %gather3A_124 = tpu.dynamic_gather %add3A_111[%gather3A_123] in [0] : vector<16xf32>, vector<16xi32> -> vector<16xf32>
        %add3A_125 = arith.addf %add3A_111, %gather3A_124 : vector<16xf32>
        %mul3A_126 = arith.constant 7.812500e-03 : f32
        %mul3A_127 = vector.broadcast %mul3A_126 : f32 to vector<16xf32>
        %mul3A_128 = arith.mulf %add3A_125, %mul3A_127 : vector<16xf32>
        %add3A_129 = arith.constant 9.99999974E-5 : f32
        %add3A_130 = vector.broadcast %add3A_129 : f32 to vector<16xf32>
        %add3A_131 = arith.addf %mul3A_128, %add3A_130 : vector<16xf32>
        %bitcast_convert_type3A = tpu.bitcast %add3A_131 : vector<16xf32> -> vector<16xi32>
        %shift_right_arithmetic3A = arith.constant 1 : i32
        %shift_right_arithmetic3A_132 = vector.broadcast %shift_right_arithmetic3A : i32 to vector<16xi32>
        %shift_right_arithmetic3A_133 = arith.shrsi %bitcast_convert_type3A, %shift_right_arithmetic3A_132 : vector<16xi32>
        %sub3A = arith.constant 1597463007 : i32
        %sub3A_134 = vector.broadcast %sub3A : i32 to vector<16xi32>
        %sub3A_135 = arith.subi %sub3A_134, %shift_right_arithmetic3A_133 : vector<16xi32>
        %bitcast_convert_type3A_136 = tpu.bitcast %sub3A_135 : vector<16xi32> -> vector<16xf32>
        %mul3A_137 = arith.constant 5.000000e-01 : f32
        %mul3A_138 = vector.broadcast %mul3A_137 : f32 to vector<16xf32>
        %mul3A_139 = arith.mulf %mul3A_138, %add3A_131 : vector<16xf32>
        %mul3A_140 = arith.mulf %mul3A_139, %bitcast_convert_type3A_136 : vector<16xf32>
        %mul3A_141 = arith.mulf %mul3A_140, %bitcast_convert_type3A_136 : vector<16xf32>
        %sub3A_142 = arith.constant 1.500000e+00 : f32
        %sub3A_143 = vector.broadcast %sub3A_142 : f32 to vector<16xf32>
        %sub3A_144 = arith.subf %sub3A_143, %mul3A_141 : vector<16xf32>
        %mul3A_145 = arith.mulf %bitcast_convert_type3A_136, %sub3A_144 : vector<16xf32>
        %mul3A_146 = arith.constant 5.000000e-01 : f32
        %mul3A_147 = vector.broadcast %mul3A_146 : f32 to vector<16xf32>
        %mul3A_148 = arith.mulf %mul3A_147, %add3A_131 : vector<16xf32>
        %mul3A_149 = arith.mulf %mul3A_148, %mul3A_145 : vector<16xf32>
        %mul3A_150 = arith.mulf %mul3A_149, %mul3A_145 : vector<16xf32>
        %sub3A_151 = arith.constant 1.500000e+00 : f32
        %sub3A_152 = vector.broadcast %sub3A_151 : f32 to vector<16xf32>
        %sub3A_153 = arith.subf %sub3A_152, %mul3A_150 : vector<16xf32>
        %mul3A_154 = arith.mulf %mul3A_145, %sub3A_153 : vector<16xf32>
        %mul3A_155 = arith.constant 5.000000e-01 : f32
        %mul3A_156 = vector.broadcast %mul3A_155 : f32 to vector<16xf32>
        %mul3A_157 = arith.mulf %mul3A_156, %add3A_131 : vector<16xf32>
        %mul3A_158 = arith.mulf %mul3A_157, %mul3A_154 : vector<16xf32>
        %mul3A_159 = arith.mulf %mul3A_158, %mul3A_154 : vector<16xf32>
        %sub3A_160 = arith.constant 1.500000e+00 : f32
        %sub3A_161 = vector.broadcast %sub3A_160 : f32 to vector<16xf32>
        %sub3A_162 = arith.subf %sub3A_161, %mul3A_159 : vector<16xf32>
        %mul3A_163 = arith.mulf %mul3A_154, %sub3A_162 : vector<16xf32>
        %mul3A_164 = arith.mulf %get3A_31, %mul3A_163 : vector<16xf32>
        %swap3A = arith.index_cast %scan3A_28 : i32 to index
        %swap3A_165 = arith.constant 0 : index
        %swap3A_166 = tpu.vector_load %arg6[%swap3A, %swap3A_165] {strides = array<i32>} : memref<128x128xf32, #tpu.memory_space<vmem>>, vector<1x16xf32>,
        %swap3A_167 = vector.shape_cast %swap3A_166 : vector<1x16xf32> to vector<16xf32>
        %swap3A_168 = vector.shape_cast %mul3A_164 : vector<16xf32> to vector<1x16xf32>
        tpu.vector_store %arg6[%swap3A, %swap3A_165], %swap3A_168 {strides = array<i32>} : memref<128x128xf32, #tpu.memory_space<vmem>>, vector<1x16xf32>,
        %mul3A_169 = arith.mulf %get3A_35, %mul3A_163 : vector<16xf32>
        %swap3A_170 = arith.index_cast %scan3A_28 : i32 to index
        %swap3A_171 = arith.constant 16 : index
        %swap3A_172 = tpu.vector_load %arg6[%swap3A_170, %swap3A_171] {strides = array<i32>} : memref<128x128xf32, #tpu.memory_space<vmem>>, vector<1x16xf32>,
        %swap3A_173 = vector.shape_cast %swap3A_172 : vector<1x16xf32> to vector<16xf32>
        %swap3A_174 = vector.shape_cast %mul3A_169 : vector<16xf32> to vector<1x16xf32>
        tpu.vector_store %arg6[%swap3A_170, %swap3A_171], %swap3A_174 {strides = array<i32>} : memref<128x128xf32, #tpu.memory_space<vmem>>, vector<1x16xf32>,
        %mul3A_175 = arith.mulf %get3A_39, %mul3A_163 : vector<16xf32>
        %swap3A_176 = arith.index_cast %scan3A_28 : i32 to index
        %swap3A_177 = arith.constant 32 : index
        %swap3A_178 = tpu.vector_load %arg6[%swap3A_176, %swap3A_177] {strides = array<i32>} : memref<128x128xf32, #tpu.memory_space<vmem>>, vector<1x16xf32>,
        %swap3A_179 = vector.shape_cast %swap3A_178 : vector<1x16xf32> to vector<16xf32>
        %swap3A_180 = vector.shape_cast %mul3A_175 : vector<16xf32> to vector<1x16xf32>
        tpu.vector_store %arg6[%swap3A_176, %swap3A_177], %swap3A_180 {strides = array<i32>} : memref<128x128xf32, #tpu.memory_space<vmem>>, vector<1x16xf32>,
        %mul3A_181 = arith.mulf %get3A_43, %mul3A_163 : vector<16xf32>
        %swap3A_182 = arith.index_cast %scan3A_28 : i32 to index
        %swap3A_183 = arith.constant 48 : index
        %swap3A_184 = tpu.vector_load %arg6[%swap3A_182, %swap3A_183] {strides = array<i32>} : memref<128x128xf32, #tpu.memory_space<vmem>>, vector<1x16xf32>,
        %swap3A_185 = vector.shape_cast %swap3A_184 : vector<1x16xf32> to vector<16xf32>
        %swap3A_186 = vector.shape_cast %mul3A_181 : vector<16xf32> to vector<1x16xf32>
        tpu.vector_store %arg6[%swap3A_182, %swap3A_183], %swap3A_186 {strides = array<i32>} : memref<128x128xf32, #tpu.memory_space<vmem>>, vector<1x16xf32>,
        %mul3A_187 = arith.mulf %get3A_47, %mul3A_163 : vector<16xf32>
        %swap3A_188 = arith.index_cast %scan3A_28 : i32 to index
        %swap3A_189 = arith.constant 64 : index
        %swap3A_190 = tpu.vector_load %arg6[%swap3A_188, %swap3A_189] {strides = array<i32>} : memref<128x128xf32, #tpu.memory_space<vmem>>, vector<1x16xf32>,
        %swap3A_191 = vector.shape_cast %swap3A_190 : vector<1x16xf32> to vector<16xf32>
        %swap3A_192 = vector.shape_cast %mul3A_187 : vector<16xf32> to vector<1x16xf32>
        tpu.vector_store %arg6[%swap3A_188, %swap3A_189], %swap3A_192 {strides = array<i32>} : memref<128x128xf32, #tpu.memory_space<vmem>>, vector<1x16xf32>,
        %mul3A_193 = arith.mulf %get3A_51, %mul3A_163 : vector<16xf32>
        %swap3A_194 = arith.index_cast %scan3A_28 : i32 to index
        %swap3A_195 = arith.constant 80 : index
        %swap3A_196 = tpu.vector_load %arg6[%swap3A_194, %swap3A_195] {strides = array<i32>} : memref<128x128xf32, #tpu.memory_space<vmem>>, vector<1x16xf32>,
        %swap3A_197 = vector.shape_cast %swap3A_196 : vector<1x16xf32> to vector<16xf32>
        %swap3A_198 = vector.shape_cast %mul3A_193 : vector<16xf32> to vector<1x16xf32>
        tpu.vector_store %arg6[%swap3A_194, %swap3A_195], %swap3A_198 {strides = array<i32>} : memref<128x128xf32, #tpu.memory_space<vmem>>, vector<1x16xf32>,
        %mul3A_199 = arith.mulf %get3A_55, %mul3A_163 : vector<16xf32>
        %swap3A_200 = arith.index_cast %scan3A_28 : i32 to index
        %swap3A_201 = arith.constant 96 : index
        %swap3A_202 = tpu.vector_load %arg6[%swap3A_200, %swap3A_201] {strides = array<i32>} : memref<128x128xf32, #tpu.memory_space<vmem>>, vector<1x16xf32>,
        %swap3A_203 = vector.shape_cast %swap3A_202 : vector<1x16xf32> to vector<16xf32>
        %swap3A_204 = vector.shape_cast %mul3A_199 : vector<16xf32> to vector<1x16xf32>
        tpu.vector_store %arg6[%swap3A_200, %swap3A_201], %swap3A_204 {strides = array<i32>} : memref<128x128xf32, #tpu.memory_space<vmem>>, vector<1x16xf32>,
        %mul3A_205 = arith.mulf %get3A_59, %mul3A_163 : vector<16xf32>
        %swap3A_206 = arith.index_cast %scan3A_28 : i32 to index
        %swap3A_207 = arith.constant 112 : index
        %swap3A_208 = tpu.vector_load %arg6[%swap3A_206, %swap3A_207] {strides = array<i32>} : memref<128x128xf32, #tpu.memory_space<vmem>>, vector<1x16xf32>,
        %swap3A_209 = vector.shape_cast %swap3A_208 : vector<1x16xf32> to vector<16xf32>
        %swap3A_210 = vector.shape_cast %mul3A_205 : vector<16xf32> to vector<1x16xf32>
        tpu.vector_store %arg6[%swap3A_206, %swap3A_207], %swap3A_210 {strides = array<i32>} : memref<128x128xf32, #tpu.memory_space<vmem>>, vector<1x16xf32>,
      }
      %scan3A_22 = arith.constant 128 : i32
      %mul3A_23 = arith.constant 6400 : i32
      %mul3A_24 = arith.muli %add3A, %mul3A_23 : i32
      %mul3A_25 = arith.constant 128 : i32
      %mul3A_26 = arith.muli %scan3A_6, %mul3A_25 : i32
      %add3A_27 = arith.addi %mul3A_24, %mul3A_26 : i32
      "tpu.region"() ({
        %run_scoped3A = tpu.sem_alloc : memref<!tpu.dma_semaphore, #tpu.memory_space<semaphore_mem>>
        %dma_start3A_28 = arith.constant 0 : i32
        %dma_start3A_29 = tpu.memref_slice %arg4[%add3A_27, %dma_start3A_28] : memref<204800x128xf32, #tpu.memory_space<hbm>> -> memref<128x128xf32, #tpu.memory_space<hbm>>
        %dma_start3A_30 = arith.constant 0 : i32
        %dma_start3A_31 = tpu.memref_slice %arg4[%add3A_27, %dma_start3A_30] : memref<204800x128xf32, #tpu.memory_space<hbm>> -> memref<128x128xf32, #tpu.memory_space<hbm>>
        tpu.enqueue_dma source(%arg6 : memref<128x128xf32, #tpu.memory_space<vmem>>) target(%dma_start3A_31 : memref<128x128xf32, #tpu.memory_space<hbm>>) target_semaphore(%run_scoped3A : memref<!tpu.dma_semaphore, #tpu.memory_space<semaphore_mem>>)
        %dma_wait3A_32 = arith.constant 0 : i32
        %dma_wait3A_33 = tpu.memref_slice %arg4[%add3A_27, %dma_wait3A_32] : memref<204800x128xf32, #tpu.memory_space<hbm>> -> memref<128x128xf32, #tpu.memory_space<hbm>>
        %dma_wait3A_34 = arith.constant 0 : i32
        %dma_wait3A_35 = tpu.memref_slice %arg4[%add3A_27, %dma_wait3A_34] : memref<204800x128xf32, #tpu.memory_space<hbm>> -> memref<128x128xf32, #tpu.memory_space<hbm>>
        tpu.wait_dma2 semaphore(%run_scoped3A : memref<!tpu.dma_semaphore, #tpu.memory_space<semaphore_mem>>) src(%arg6 : memref<128x128xf32, #tpu.memory_space<vmem>>) dst(%dma_wait3A_35 : memref<128x128xf32, #tpu.memory_space<hbm>>)
        tpu.yield
      }) : () -> ()
    }
    %scan3A_5 = arith.constant 50 : i32
    return
  }
}

</mosaic_0001>

<sc_bundles>
// kernel: kernel.3.cloned.1.call-start
scs
__scs_entry_jumppad:
0x0: {  	(pc) =	sbr.rel $0x88, $3  }
0x1: {  	(tag) =	ssettag $0x0;
	lr =	simm.s32 $0x1  }
0x2: {  	[smem:$0x3F9F] =	sst lr;
	_ =	strace $0xD0000000  }
0x3: {  	_ = 	snop  }
0x4: {  	_ = 	snop  }
0x5: {  	_ = 	snop  }
0x6: {  	_ = 	snop  }
0x7: {  	_ = 	snop  }
__scs_overlays_trampoline_lowered:
0x8: {  	[smem:$0x3FAE] =	sst s0  }
0x9: {  	[smem:$0x3FAF] =	sst s1  }
0xa: {  	[smem:$0x3FB0] =	sst s2  }
0xb: {  	[smem:$0x3FB1] =	sst s3  }
0xc: {  	[smem:$0x3FB2] =	sst s4  }
0xd: {  	[smem:$0x3FB3] =	sst s5  }
0xe: {  	[smem:$0x3FB4] =	sst s6  }
0xf: {  	[smem:$0x3FB5] =	sst s7  }
0x10: {  	[smem:$0x3FB6] =	sst s8  }
0x11: {  	[smem:$0x3FB7] =	sst s9;
	s0 =	simm.s32 @!p0 $0x0  }
0x12: {  	s1 =	sld [smem:$0x3F9D];
	s0 =	simm.s32 @p0 $0x1  }
0x13: {  	[smem:$0x3FB8] =	sst s0;
	s0 =	simm.s32 @!p1 $0x0  }
0x14: {  	s2 =	sld [smem:$0x3F9C];
	s0 =	simm.s32 @p1 $0x1  }
0x15: {  	[smem:$0x3FB9] =	sst s0;
	s0 =	simm.s32 @!p2 $0x0  }
0x16: {  	s3 =	sld [smem:$0x3FDB];
	s0 =	simm.s32 @p2 $0x1  }
0x17: {  	s4 =	simm.s32 $0x1BF5;
	[smem:$0x3FBB] =	sst s0  }
0x18: {  	s0 =	sld [smem:$0x3F9E];
	_ =	swait.ge [sflag:s4], $0x0  }
0x19: {  	s7 =	sld [smem:$0x3F9F]  }
0x1a: {  	s8 =	sadd.s32 $0xFFFFE003, lr  }
0x1b: {  	s9 =	sadd.s32 $0xFFFFFEF7, lr;
	s5 =	simm.s32 $0xFFFFFFFF;
	p2 =	slt.u32 s8, $0xFFFFF086  }
0x1c: {  	p1 =	slt.u32 s9, $0xF7A;
	s5 =	simm.s32 @!p2 $0x0  }
0x1d: {  	s5 =	simm.s32 @p1 $0x1;
	p0 =	seq.s32 s7, s2  }
0x1e: {  	s7 =	smul.u32 @!p0 $0xF7A, s2;
	p2 =	seq.s32 @!p0 s5, $0x0  }
0x1f: {  	s9 =	smul.u32 $0xF7A, s1;
	s8 =	simm.s32 @!p0 $0x1BF5;
	p2 =	por !p2, p0  }
0x20: {  	[sflag:s8] =	ssyncset.s32 @!p0 $0xFFFFF086;
	s6 =	sadd.s32 @!p0 s3, s7;
	s7 =	simm.s32 @!p0 $0x108  }
0x21: {  	s3 =	sadd.s32 s3, s9;
	s6 =	sadd.s32 @!p0 $0x88, s6;
	s7 =	simm.s32 @p2 $0x1082  }
0x22: {  	[simem:s7], [sflag:s8] =	dma.local @!p0 [hbm:s6], $0xF7A  }
0x23: {  	s9 =	sor.u32 $0xD0000000, s2;
	s6 =	simm.s32 $0x108;
	_ =	swait.ge @!p0 [sflag:s8], $0x0  }
0x24: {  	s3 =	sadd.s32 $0x88, s3;
	s6 =	simm.s32 @!p1 $0x1082;
	[sflag:s4] =	ssyncset.s32 $0xFFFFF086  }
0x25: {  	[simem:s6], [sflag:s4] =	dma.local [hbm:s3], $0xF7A  }
0x26: {  	[smem:$0x3F9F] =	sst s1;
	(tag) =	ssettag s2;
	_ =	strace s9  }
0x27: {  	s1 =	sld [smem:$0x3FAF]  }
0x28: {  	s2 =	sld [smem:$0x3FB0]  }
0x29: {  	s4 =	sld [smem:$0x3FB2]  }
0x2a: {  	p0 =	seq.s32 s5, $0x0;
	s5 =	sld [smem:$0x3FB3]  }
0x2b: {  	s6 =	sld [smem:$0x3FB4]  }
0x2c: {  	s7 =	sld [smem:$0x3FB5]  }
0x2d: {  	s3 =	simm.s32 $0x108;
	s8 =	sld [smem:$0x3FB6]  }
0x2e: {  	s3 =	simm.s32 @!p0 $0x1082;
	s9 =	sld [smem:$0x3FB7]  }
0x2f: {  	lr =	sadd.s32 s0, s3;
	s0 =	sld [smem:$0x3FAE]  }
0x30: {  	s3 =	sld [smem:$0x3FB1]  }
0x31: {  	[smem:$0x3FBA] =	sst s10  }
0x32: {  	s10 =	sld [smem:$0x3FB8];
	_ =	sdelay $0x3  }
0x33: {  	p0 =	seq.s32 s10, $0x1;
	s10 =	sld [smem:$0x3FBA];
	_ =	sdelay $0x3  }
0x34: {  	[smem:$0x3FBA] =	sst s10  }
0x35: {  	s10 =	sld [smem:$0x3FB9];
	_ =	sdelay $0x3  }
0x36: {  	p1 =	seq.s32 s10, $0x1;
	s10 =	sld [smem:$0x3FBA];
	_ =	sdelay $0x3  }
0x37: {  	[smem:$0x3FBA] =	sst s10  }
0x38: {  	s10 =	sld [smem:$0x3FBB]  }
0x39: {  	_ = 	snop;
	(pc) =	sbr.ind lr, $3  }
0x3a: {  	_ = 	snop  }
0x3b: {  	_ = 	snop  }
0x3c: {  	p2 =	seq.s32 s10, $0x1;
	s10 =	sld [smem:$0x3FBA]  }
0x3d: {  	_ =	shalt  }
0x3e: {  	_ =	shalt  }
0x3f: {  	_ =	shalt  }
0x40: {  	_ =	shalt  }
0x41: {  	_ =	shalt  }
0x42: {  	_ =	shalt  }
0x43: {  	_ =	shalt  }
0x44: {  	_ =	shalt  }
0x45: {  	_ =	shalt  }
0x46: {  	_ =	shalt  }
0x47: {  	_ =	shalt  }
0x48: {  	_ =	shalt  }
0x49: {  	_ =	shalt  }
0x4a: {  	_ =	shalt  }
0x4b: {  	_ =	shalt  }
0x4c: {  	_ =	shalt  }
0x4d: {  	_ =	shalt  }
0x4e: {  	_ =	shalt  }
0x4f: {  	_ =	shalt  }
0x50: {  	_ =	shalt  }
0x51: {  	_ =	shalt  }
0x52: {  	_ =	shalt  }
0x53: {  	_ =	shalt  }
0x54: {  	_ =	shalt  }
0x55: {  	_ =	shalt  }
0x56: {  	_ =	shalt  }
0x57: {  	_ =	shalt  }
0x58: {  	_ =	shalt  }
0x59: {  	_ =	shalt  }
0x5a: {  	_ =	shalt  }
0x5b: {  	_ =	shalt  }
0x5c: {  	_ =	shalt  }
0x5d: {  	_ =	shalt  }
0x5e: {  	_ =	shalt  }
0x5f: {  	_ =	shalt  }
0x60: {  	_ =	shalt  }
0x61: {  	_ =	shalt  }
0x62: {  	_ =	shalt  }
0x63: {  	_ =	shalt  }
0x64: {  	_ =	shalt  }
0x65: {  	_ =	shalt  }
0x66: {  	_ =	shalt  }
0x67: {  	_ =	shalt  }
0x68: {  	_ =	shalt  }
0x69: {  	_ =	shalt  }
0x6a: {  	_ =	shalt  }
0x6b: {  	_ =	shalt  }
0x6c: {  	_ =	shalt  }
0x6d: {  	_ =	shalt  }
0x6e: {  	_ =	shalt  }
0x6f: {  	_ =	shalt  }
0x70: {  	_ =	shalt  }
0x71: {  	_ =	shalt  }
0x72: {  	_ =	shalt  }
0x73: {  	_ =	shalt  }
0x74: {  	_ =	shalt  }
0x75: {  	_ =	shalt  }
0x76: {  	_ =	shalt  }
0x77: {  	_ =	shalt  }
0x78: {  	_ =	shalt  }
0x79: {  	_ =	shalt  }
0x7a: {  	_ =	shalt  }
0x7b: {  	_ =	shalt  }
0x7c: {  	_ =	shalt  }
0x7d: {  	_ =	shalt  }
0x7e: {  	_ =	shalt  }
0x7f: {  	_ =	shalt  }
0x80: {  	_ =	shalt  }
0x81: {  	_ =	shalt  }
0x82: {  	_ =	shalt  }
0x83: {  	_ =	shalt  }
0x84: {  	_ =	shalt  }
0x85: {  	_ =	shalt  }
0x86: {  	_ =	shalt  }
0x87: {  	_ =	shalt  }
.Lfunc_end0:
.L_simem_size_0:
called_computation.1_lowered:
.L_overlay_start_0:
0x88: {  	s2 =	sld [smem:$0x3FD9]  }
0x89: {  	s3 =	sld [smem:$0x3FFE];
	_ =	sdelay $0x1  }
0x8a: {  	s1 =	srdreg.scid  }
0x8b: {  	s0 =	sand.u32 $0x1, s1  }
0x8c: {  	s17 =	sshll.u32 s0, $0xA;
	s2 =	sadd.s32 s3, s2  }
0x8d: {  	s2 =	sadd.s32 s2, s17  }
0x8e: {  	[smem:$0x3FC6] =	sst s2  }
0x8f: {  	_ = 	snop  }
0x90: {  	s2 =	sld [smem:$0x3FC8]  }
0x91: {  	s18 =	sld [smem:$0x3FD0];
	(tm) =	ssettm $0x1  }
0x92: {  	s4 =	sld [smem:$0x3FFB];
	_ =	sdelay $0x3  }
0x93: {  	_ =	strace s4  }
0x94: {  	s4 =	sld [smem:$0x3FFC];
	_ =	sdelay $0x3  }
0x95: {  	_ =	strace s4  }
0x96: {  	s4 =	sld [smem:$0x3FFD];
	_ =	sdelay $0x3  }
0x97: {  	_ =	strace s4  }
0x98: {  	_ =	strace $0x8FFFFFFF  }
0x99: {  	s19 =	sld [smem:$0x3FDB];
	_ =	sdelay $0x1  }
0x9a: {  	s5 =	simm.s32 $_scs_section_size  }
0x9b: {  	s6 =	simm.s32 $_size__tile_overlayer_lowered;
	s7 =	simm.s32 $_tile_overlayer_lowered  }
0x9c: {  	s22 =	simm.s32 $0x1BFF;
	s21 =	sshll.u32 s7, $0x1;
	s4 =	sadd.s32 s5, s19  }
0x9d: {  	s8 =	simm.s32 $0x0;
	s20 =	sshll.u32 s6, $0x1;
	s6 =	sadd.s32 s21, s4  }
0x9e: {  	[timem:s8], [sflag:s22] =	dma.local [hbm:s6], s20  }
0x9f: {  	_ =	swait.ge [sflag:s22], s20  }
0xa0: {  	s5 =	ssub.s32 $0x0, s20;
	[sflag:s22] =	ssyncset.done $0x0  }
0xa1: {  	[sflag:s22] =	ssyncadd.s32 s5;
	_ =	sdelay $0x1  }
0xa2: {  	s23 =	simm.s32 $0x1B8B  }
0xa3: {  	_ =	swait.ge [sflag:s23], $0x1  }
0xa4: {  	[sflag:s23] =	ssyncset.done $0x0  }
0xa5: {  	s25 =	simm.s32 $0x1B8E;
	s24 =	sld [smem:$0x3FFE];
	[sflag:s23] =	ssyncadd.s32 $0xFFFFFFFF  }
0xa6: {  	s26 =	simm.s32 $execute0_lowered;
	[smem:$0x3FD2] =	sst s25  }
0xa7: {  	s6 =	sshll.u32 s26, $0x1;
	_ =	strace $0x80000046;
	[dreg:$0x1] =	wrdreg $0xFFFFFFFF  }
0xa8: {  	s28 =	simm.s32 $_size_execute0_lowered;
	s4 =	sadd.s32 s4, s6;
	[dreg:$0x0] =	wrdreg $0x0  }
0xa9: {  	s6 =	sshll.u32 s28, $0x1;
	[dreg:$0x2] =	wrdreg s4  }
0xaa: {  	[dreg:$0x3] =	wrdreg s6  }
0xab: {  	[dreg:$0x4] =	wrdreg $0xC0  }
0xac: {  	_ =	task [dreg:s8], $0x5FFFF  }
0xad: {  	[dreg:$0x1] =	wrdreg $0xFFFFFFFF  }
0xae: {  	[dreg:$0x0] =	wrdreg $0x60  }
0xaf: {  	[dreg:$0x2] =	wrdreg s24  }
0xb0: {  	[dreg:$0x3] =	wrdreg s2  }
0xb1: {  	[dreg:$0x4] =	wrdreg s18  }
0xb2: {  	[dreg:$0x5] =	wrdreg $0x9  }
0xb3: {  	_ =	task.clear_ibuf [dreg:s8], $0x6FFFF;
	_ =	strace $0x90000046  }
0xb4: {  	s29 =	simm.s32 $0x9;
	_ =	strace $0x80000048  }
0xb5: {  	_ =	swait.ge [sflag:s29], $0x1  }
0xb6: {  	[sflag:s29] =	ssyncadd.s32 $0xFFFFFFFF  }
0xb7: {  	_ =	strace $0x90000048  }
0xb8: {  	_ =	sfence  }
0xb9: {  	s30 =	sld [smem:$0x0];
	_ =	sdelay $0x2  }
0xba: {  	s31 =	sshll.u32 s1, $0xD;
	s1 =	sshrl.u32 s1, $0x2  }
0xbb: {  	s3 =	sand.u32 $0x4000, s31;
	s1 =	sadd.s32 s1, s30  }
0xbc: {  	s0 =	sor.u32 s3, s0;
	s1 =	sshll.u32 s1, $0x11  }
0xbd: {  	s0 =	sor.u32 s1, s0  }
0xbe: {  	s0 =	sadd.s32 $0x8F2B, s0  }
0xbf: {  	[sflag:s0] =	ssyncadd.remote.s32 $0x1  }
0xc0: {  	_ =	sfence.sel $0xFFFF  }
0xc1: {  	[dreg:$0x0] =	wrdreg $0xFFFFFFFF;
	(pc) =	sbr.abs _section_cstart, $3  }
0xc2: {  	[dreg:$0x1] =	wrdreg $0xFFFFFFFF  }
0xc3: {  	_ =	task.clear_ibuf [dreg:s8], $0x2FFFF;
	_ =	strace $0x9FFFFFFF  }
0xc4: {  	(tm) =	ssettm $0x7FFFFFFF  }
0xc5: {  	_ =	shalt  }
tec
execute0_lowered:
.L_overlay_start_1:
0x0: {  	(tag) =	ssettag $0x1  }
0x1: {  	v0 =	vimm.s32 $0xFEDCBA98  }
0x2: {  	v1 =	vimm.s32 $0x76543210;
	v2 =	vimm.s32 $0xBA98FEDC;
	v3 =	vimm.s32 $0x32107654  }
0x3: {  	s1 =	srdreg.scid;
	s5 =	rddreg [dreg:$0x0];
	v4 =	vimm.s32 $0xDCFE98BA;
	v5 =	vimm.s32 $0x54761032;
	v6 =	vimm.s32 $0xEFCDAB89  }
0x4: {  	s0 =	stileid.u32;
	s3 =	rddreg [dreg:$0x2];
	v7 =	vimm.s32 $0x67452301;
	v0 =	vunpack.c.l.s4.s8 v0;
	v1 =	vunpack.c.l.s4.s8 v1  }
0x5: {  	s4 =	simm.s32 $0x0;
	s9 =	simm.s32 $0x80;
	s10 =	simm.s32 $0x1C00;
	v2 =	vunpack.c.l.s4.s8 v2;
	v3 =	vunpack.c.l.s4.s8 v3;
	v4 =	vunpack.c.l.s4.s8 v4  }
0x6: {  	s11 =	simm.s32 $0x1;
	s6 =	sand.u32 $0x1, s1;
	s2 =	sshll.u32 s0, $0x1;
	v5 =	vunpack.c.l.s4.s8 v5;
	v6 =	vunpack.c.l.s4.s8 v6;
	v7 =	vunpack.c.l.s4.s8 v7  }
0x7: {  	s12 =	simm.s32 $0x0;
	s1 =	rddreg [dreg:$0x1];
	s7 =	sor.u32 s6, s2;
	v0 =	vunpack.c.0.s8.s32 v0;
	v1 =	vunpack.c.0.s8.s32 v1;
	v2 =	vunpack.c.0.s8.s32 v2  }
0x8: {  	[smem:$0x7FF] =	sst s4;
	s6 =	ssub.s32 $0x2, s6;
	s8 =	smul.u32 $0x380, s7;
	v3 =	vunpack.c.0.s8.s32 v3;
	v4 =	vunpack.c.0.s8.s32 v4;
	v5 =	vunpack.c.0.s8.s32 v5  }
0x9: {  	s2 =	rddreg [dreg:$0x3];
	_ =	strace $0x80000047;
	s31 =	sshrl.u32 s6, $0x1;
	v6 =	vunpack.c.0.s8.s32 v6;
	v7 =	vunpack.c.0.s8.s32 v7;
	v0 =	vand.u32 $0xF, v0  }
0xa: {  	s5 =	sadd.s32 s8, s5;
	s8 =	ssub.s32 s6, s31;
	s6 =	smul.u32 $0x1900, s7;
	v0 =	vcombine.low v0, v1;
	v1 =	vcombine.low v3, v2  }
0xb: {  	s5 =	sadd.s32 $0x800, s5;
	s7 =	smax.u32 s8, $0x1;
	s8 =	simm.s32 $0x2;
	v2 =	vcombine.low v5, v4;
	v3 =	vcombine.low v7, v6  }
.LBB2_1:
0xc: {  	[tilespmem:s4], [sflag:$0x2] =	stream.linear.gather [hbm4b:s5+s4], $0x1900, $0x38;
	[tilespmem:$0x5C00] =	vst v63  }
0xd: {  	_ =	swait.ge [sflag:s8], $0x1900  }
0xe: {  	[sflag:s8] =	ssyncset.done $0x0  }
0xf: {  	s13 =	simm.s32 $0x0;
	[sflag:s8] =	ssyncadd.s32 $0xFFFFE700  }
.LBB2_2:
0x10: {  	s14 =	sshll.u32 s13, $0x7  }
0x11: {  	[tilespmem:s10], [sflag:$0x1] =	stream.indirect.gather [hbm4b:s1+s9], $0x80, s14, s9, $0xb8;
	[tilespmem:$0x5C00] =	vst v63  }
0x12: {  	_ =	swait.ge [sflag:s11], $0x4000  }
0x13: {  	[sflag:s11] =	ssyncset.done $0x0  }
0x14: {  	s15 =	simm.s32 $0x0;
	[sflag:s11] =	ssyncadd.s32 $0xFFFFC000  }
0x15: {  	v4 =	vld [tilespmem:s15+$0x1C10]  }
0x16: {  	v5 =	vld [tilespmem:s15+$0x1C00];
	_ =	sdelay $0x1  }
0x17: {  	v6 =	vld [tilespmem:s15+$0x1C20];
	_ =	sdelay $0x1  }
0x18: {  	v7 =	vld [tilespmem:s15+$0x1C30]  }
0x19: {  	v8 =	vmul.f32 v5, v5;
	v9 =	vmul.f32 v4, v4  }
0x1a: {  	v10 =	vld [tilespmem:s15+$0x1C40]  }
0x1b: {  	v8 =	vadd.f32 v9, v8;
	v9 =	vmul.f32 v6, v6  }
0x1c: {  	v11 =	vld [tilespmem:s15+$0x1C50]  }
0x1d: {  	v8 =	vadd.f32 v9, v8;
	v9 =	vmul.f32 v7, v7  }
0x1e: {  	v12 =	vld [tilespmem:s15+$0x1C60]  }
0x1f: {  	v8 =	vadd.f32 v9, v8;
	v9 =	vmul.f32 v10, v10  }
0x20: {  	v13 =	vld [tilespmem:s15+$0x1C70]  }
0x21: {  	v8 =	vadd.f32 v9, v8;
	v9 =	vmul.f32 v11, v11;
	_ =	sdelay $0x1  }
0x22: {  	v8 =	vadd.f32 v9, v8;
	v9 =	vmul.f32 v12, v12;
	_ =	sdelay $0x1  }
0x23: {  	v8 =	vadd.f32 v9, v8;
	v9 =	vmul.f32 v13, v13;
	_ =	sdelay $0x1  }
0x24: {  	v8 =	vadd.f32 v9, v8;
	_ =	sdelay $0x1  }
0x25: {  	v9 =	vperm.xlane v8, v0;
	_ =	sdelay $0x1  }
0x26: {  	v8 =	vadd.f32 v8, v9;
	_ =	sdelay $0x1  }
0x27: {  	v9 =	vperm.xlane v8, v1;
	_ =	sdelay $0x1  }
0x28: {  	v8 =	vadd.f32 v8, v9;
	_ =	sdelay $0x1  }
0x29: {  	v9 =	vperm.xlane v8, v2;
	_ =	sdelay $0x1  }
0x2a: {  	v8 =	vadd.f32 v8, v9;
	_ =	sdelay $0x1  }
0x2b: {  	v9 =	vperm.xlane v8, v3;
	_ =	sdelay $0x1  }
0x2c: {  	v8 =	vadd.f32 v8, v9;
	_ =	sdelay $0x1  }
0x2d: {  	v8 =	vmul.f32 $7.812500000e-03, v8;
	_ =	sdelay $0x1  }
0x2e: {  	v8 =	vadd.f32 $9.999999740e-05, v8;
	_ =	sdelay $0x1  }
0x2f: {  	v9 =	vshra.s32 v8, $0x1;
	v8 =	vmul.f32 $5.000000000e-01, v8  }
0x30: {  	v9 =	vsub.s32 $0x5F3759DF, v9  }
0x31: {  	v14 =	vmul.f32 v9, v8;
	_ =	sdelay $0x1  }
0x32: {  	v14 =	vmul.f32 v9, v14;
	_ =	sdelay $0x1  }
0x33: {  	v14 =	vsub.f32 $1.500000000e+00, v14;
	_ =	sdelay $0x1  }
0x34: {  	v9 =	vmul.f32 v9, v14;
	_ =	sdelay $0x1  }
0x35: {  	v14 =	vmul.f32 v9, v8;
	_ =	sdelay $0x1  }
0x36: {  	v14 =	vmul.f32 v14, v9;
	_ =	sdelay $0x1  }
0x37: {  	v14 =	vsub.f32 $1.500000000e+00, v14;
	_ =	sdelay $0x1  }
0x38: {  	v9 =	vmul.f32 v14, v9;
	_ =	sdelay $0x1  }
0x39: {  	v8 =	vmul.f32 v9, v8;
	_ =	sdelay $0x1  }
0x3a: {  	v8 =	vmul.f32 v8, v9;
	_ =	sdelay $0x1  }
0x3b: {  	v8 =	vsub.f32 $1.500000000e+00, v8;
	_ =	sdelay $0x1  }
0x3c: {  	v14 =	vmul.f32 v8, v9;
	_ =	sdelay $0x1  }
0x3d: {  	v5 =	vmul.f32 v14, v5  }
0x3e: {  	v4 =	vmul.f32 v14, v4  }
0x3f: {  	v15 =	vmul.f32 v14, v6;
	v8 =	vmul.f32 v14, v10;
	[tilespmem:s15+$0x1C00] =	vst v5  }
0x40: {  	s17 =	simm.s32 $0x80;
	v6 =	vmul.f32 v14, v11;
	v5 =	vmul.f32 v14, v7;
	[tilespmem:s15+$0x1C10] =	vst v4  }
0x41: {  	s16 =	simm.s32 $0x400;
	v9 =	vmul.f32 v14, v12;
	v7 =	vmul.f32 v14, v13;
	v4 =	vld [tilespmem:s17+$0x1C10];
	[tilespmem:s15+$0x1C20] =	vst v15  }
.LBB2_3:
0x42: {  	p0 =	sne.s32 s16, $0xFE00;
	v10 =	vld [tilespmem:s17+$0x1C00];
	[tilespmem:s15+$0x1C30] =	vst v5  }
0x43: {  	[tilespmem:s15+$0x1C40] =	vst v8  }
0x44: {  	v5 =	vld [tilespmem:s17+$0x1C20];
	[tilespmem:s15+$0x1C50] =	vst v6  }
0x45: {  	[tilespmem:s15+$0x1C60] =	vst v9  }
0x46: {  	v6 =	vld [tilespmem:s17+$0x1C30];
	[tilespmem:s15+$0x1C70] =	vst v7;
	s15 =	smov.u32 s17  }
0x47: {  	v8 =	vmul.f32 v4, v4;
	v7 =	vmul.f32 v10, v10  }
0x48: {  	v9 =	vld [tilespmem:s15+$0x1C40]  }
0x49: {  	v7 =	vadd.f32 v8, v7;
	v8 =	vmul.f32 v5, v5  }
0x4a: {  	v11 =	vld [tilespmem:s15+$0x1C50]  }
0x4b: {  	v7 =	vadd.f32 v8, v7;
	v8 =	vmul.f32 v6, v6  }
0x4c: {  	v12 =	vld [tilespmem:s15+$0x1C60]  }
0x4d: {  	v7 =	vadd.f32 v8, v7;
	v8 =	vmul.f32 v9, v9  }
0x4e: {  	v13 =	vld [tilespmem:s15+$0x1C70]  }
0x4f: {  	v7 =	vadd.f32 v8, v7;
	v8 =	vmul.f32 v11, v11;
	_ =	sdelay $0x1  }
0x50: {  	v7 =	vadd.f32 v8, v7;
	v8 =	vmul.f32 v12, v12;
	_ =	sdelay $0x1  }
0x51: {  	v7 =	vadd.f32 v8, v7;
	v8 =	vmul.f32 v13, v13;
	_ =	sdelay $0x1  }
0x52: {  	v7 =	vadd.f32 v8, v7;
	_ =	sdelay $0x1  }
0x53: {  	v8 =	vperm.xlane v7, v0;
	_ =	sdelay $0x1  }
0x54: {  	v7 =	vadd.f32 v7, v8;
	_ =	sdelay $0x1  }
0x55: {  	v8 =	vperm.xlane v7, v1;
	_ =	sdelay $0x1  }
0x56: {  	v7 =	vadd.f32 v7, v8;
	_ =	sdelay $0x1  }
0x57: {  	v8 =	vperm.xlane v7, v2;
	_ =	sdelay $0x1  }
0x58: {  	v7 =	vadd.f32 v7, v8;
	_ =	sdelay $0x1  }
0x59: {  	v8 =	vperm.xlane v7, v3;
	_ =	sdelay $0x1  }
0x5a: {  	v7 =	vadd.f32 v7, v8;
	_ =	sdelay $0x1  }
0x5b: {  	v7 =	vmul.f32 $7.812500000e-03, v7;
	_ =	sdelay $0x1  }
0x5c: {  	v7 =	vadd.f32 $9.999999740e-05, v7;
	_ =	sdelay $0x1  }
0x5d: {  	v8 =	vshra.s32 v7, $0x1;
	v7 =	vmul.f32 $5.000000000e-01, v7  }
0x5e: {  	v8 =	vsub.s32 $0x5F3759DF, v8  }
0x5f: {  	v14 =	vmul.f32 v8, v7;
	_ =	sdelay $0x1  }
0x60: {  	v14 =	vmul.f32 v8, v14;
	_ =	sdelay $0x1  }
0x61: {  	v14 =	vsub.f32 $1.500000000e+00, v14;
	_ =	sdelay $0x1  }
0x62: {  	v8 =	vmul.f32 v8, v14;
	_ =	sdelay $0x1  }
0x63: {  	v14 =	vmul.f32 v8, v7;
	_ =	sdelay $0x1  }
0x64: {  	v14 =	vmul.f32 v14, v8;
	_ =	sdelay $0x1  }
0x65: {  	v14 =	vsub.f32 $1.500000000e+00, v14;
	_ =	sdelay $0x1  }
0x66: {  	v8 =	vmul.f32 v14, v8;
	_ =	sdelay $0x1  }
0x67: {  	v7 =	vmul.f32 v8, v7;
	_ =	sdelay $0x1  }
0x68: {  	v7 =	vmul.f32 v7, v8;
	_ =	sdelay $0x1  }
0x69: {  	v7 =	vsub.f32 $1.500000000e+00, v7;
	_ =	sdelay $0x1  }
0x6a: {  	v7 =	vmul.f32 v7, v8;
	_ =	sdelay $0x1  }
.Ltmp0:
0x6b: {  	v8 =	vmul.f32 v7, v10;
	v4 =	vmul.f32 v7, v4;
	(pc) =	sbr.rel @p0 .LBB2_3-.Ltmp0, $4  }
0x6c: {  	v10 =	vmul.f32 v7, v5;
	v5 =	vmul.f32 v7, v6  }
0x6d: {  	v6 =	vmul.f32 v7, v11;
	[tilespmem:s15+$0x1C00] =	vst v8;
	v8 =	vmul.f32 v7, v9  }
0x6e: {  	s17 =	sshra.s32 s16, $0x2;
	v9 =	vmul.f32 v7, v12;
	v7 =	vmul.f32 v7, v13;
	[tilespmem:s15+$0x1C10] =	vst v4  }
0x6f: {  	s16 =	sadd.s32 $0x200, s16;
	v4 =	vld [tilespmem:s17+$0x1C10];
	[tilespmem:s15+$0x1C20] =	vst v10  }
0x70: {  	v10 =	vld [tilespmem:s17+$0x1C00];
	[tilespmem:s15+$0x1C30] =	vst v5  }
0x71: {  	[tilespmem:s15+$0x1C40] =	vst v8  }
0x72: {  	v5 =	vld [tilespmem:s17+$0x1C20];
	[tilespmem:s15+$0x1C50] =	vst v6  }
0x73: {  	[tilespmem:s15+$0x1C60] =	vst v9  }
0x74: {  	v6 =	vld [tilespmem:s17+$0x1C30]  }
0x75: {  	[tilespmem:s15+$0x1C70] =	vst v7;
	v55 =	vmul.f32 v4, v4;
	v54 =	vmul.f32 v10, v10  }
0x76: {  	v9 =	vld [tilespmem:s17+$0x1C40]  }
0x77: {  	v56 =	vmul.f32 v5, v5;
	v7 =	vadd.f32 v55, v54  }
0x78: {  	v11 =	vld [tilespmem:s17+$0x1C50]  }
0x79: {  	v57 =	vmul.f32 v6, v6;
	v7 =	vadd.f32 v56, v7  }
0x7a: {  	v12 =	vld [tilespmem:s17+$0x1C60]  }
0x7b: {  	v58 =	vmul.f32 v9, v9;
	v7 =	vadd.f32 v57, v7  }
0x7c: {  	v13 =	vld [tilespmem:s17+$0x1C70]  }
0x7d: {  	v59 =	vmul.f32 v11, v11;
	v7 =	vadd.f32 v58, v7;
	_ =	sdelay $0x1  }
0x7e: {  	v60 =	vmul.f32 v12, v12;
	v7 =	vadd.f32 v59, v7;
	_ =	sdelay $0x1  }
0x7f: {  	v61 =	vmul.f32 v13, v13;
	v7 =	vadd.f32 v60, v7;
	_ =	sdelay $0x1  }
0x80: {  	v7 =	vadd.f32 v61, v7;
	_ =	sdelay $0x1  }
0x81: {  	v8 =	vperm.xlane v7, v0;
	_ =	sdelay $0x1  }
0x82: {  	v7 =	vadd.f32 v7, v8;
	_ =	sdelay $0x1  }
0x83: {  	v8 =	vperm.xlane v7, v1;
	_ =	sdelay $0x1  }
0x84: {  	v7 =	vadd.f32 v7, v8;
	_ =	sdelay $0x1  }
0x85: {  	v8 =	vperm.xlane v7, v2;
	_ =	sdelay $0x1  }
0x86: {  	v7 =	vadd.f32 v7, v8;
	_ =	sdelay $0x1  }
0x87: {  	v8 =	vperm.xlane v7, v3;
	_ =	sdelay $0x1  }
0x88: {  	v7 =	vadd.f32 v7, v8;
	_ =	sdelay $0x1  }
0x89: {  	v7 =	vmul.f32 $7.812500000e-03, v7;
	_ =	sdelay $0x1  }
0x8a: {  	v7 =	vadd.f32 $9.999999740e-05, v7;
	_ =	sdelay $0x1  }
0x8b: {  	v62 =	vshra.s32 v7, $0x1;
	v7 =	vmul.f32 $5.000000000e-01, v7  }
0x8c: {  	v8 =	vsub.s32 $0x5F3759DF, v62  }
0x8d: {  	v14 =	vmul.f32 v8, v7;
	_ =	sdelay $0x1  }
0x8e: {  	v14 =	vmul.f32 v8, v14;
	_ =	sdelay $0x1  }
0x8f: {  	v14 =	vsub.f32 $1.500000000e+00, v14;
	_ =	sdelay $0x1  }
0x90: {  	v8 =	vmul.f32 v8, v14;
	_ =	sdelay $0x1  }
0x91: {  	v14 =	vmul.f32 v8, v7;
	_ =	sdelay $0x1  }
0x92: {  	v14 =	vmul.f32 v14, v8;
	_ =	sdelay $0x1  }
0x93: {  	v14 =	vsub.f32 $1.500000000e+00, v14;
	_ =	sdelay $0x1  }
0x94: {  	v8 =	vmul.f32 v14, v8;
	_ =	sdelay $0x1  }
0x95: {  	v7 =	vmul.f32 v8, v7;
	_ =	sdelay $0x1  }
0x96: {  	v7 =	vmul.f32 v7, v8;
	_ =	sdelay $0x1  }
0x97: {  	v7 =	vsub.f32 $1.500000000e+00, v7;
	_ =	sdelay $0x1  }
0x98: {  	v7 =	vmul.f32 v7, v8;
	_ =	sdelay $0x1  }
0x99: {  	v8 =	vmul.f32 v7, v10  }
0x9a: {  	v4 =	vmul.f32 v7, v4  }
0x9b: {  	v5 =	vmul.f32 v7, v5;
	[tilespmem:s17+$0x1C00] =	vst v8  }
0x9c: {  	v6 =	vmul.f32 v7, v6;
	[tilespmem:s17+$0x1C10] =	vst v4  }
0x9d: {  	v63 =	vmul.f32 v7, v12;
	[tilespmem:s17+$0x1C20] =	vst v5  }
0x9e: {  	v4 =	vmul.f32 v7, v9;
	[tilespmem:s17+$0x1C30] =	vst v6  }
0x9f: {  	v5 =	vmul.f32 v7, v11;
	[tilespmem:s17+$0x1C60] =	vst v63  }
0xa0: {  	s14 =	sadd.s32 s6, s14;
	s13 =	sadd.s32 $0x1, s13;
	[tilespmem:s17+$0x1C40] =	vst v4;
	v4 =	vmul.f32 v7, v13  }
0xa1: {  	s14 =	sshll.u32 s14, $0x4;
	p0 =	sne.s32 s13, $0x32;
	[tilespmem:s17+$0x1C50] =	vst v5  }
.Ltmp1:
0xa2: {  	s14 =	sadd.s32 s3, s14;
	[tilespmem:s17+$0x1C70] =	vst v4;
	(pc) =	sbr.rel @p0 .LBB2_2-.Ltmp1, $4  }
0xa3: {  	[hbm4b:s14+s4] =	stream.linear.scatter [tilespmem:s10], [sflag:$0x2], $0x4000, $0x38;
	[tilespmem:$0x5C00] =	vst v63  }
0xa4: {  	_ =	swait.ge [sflag:s8], $0x4000  }
0xa5: {  	[sflag:s8] =	ssyncset.done $0x0  }
0xa6: {  	[sflag:s8] =	ssyncadd.s32 $0xFFFFC000  }
0xa7: {  	s12 =	sadd.s32 $0x1, s12  }
0xa8: {  	p0 =	sne.s32 s12, s7  }
.Ltmp2:
0xa9: {  	_ = 	snop;
	(pc) =	sbr.rel @p0 .LBB2_1-.Ltmp2, $1  }
0xaa: {  	_ =	sdelay $0x3  }
0xab: {  	_ =	sfence.sel $0x180000  }
0xac: {  	[bflag:$0x0] =	sbarrier.arrive $0xFFFF  }
0xad: {  	p0 =	sne.s32 s0, $0x0;
	_ =	strace $0x90000047  }
0xae: {  	s0 =	sadd.s32 @!p0 $0x100000, s2;
	[bflag:$0x2] =	sbarrier.arrive $0xFFFF  }
0xaf: {  	[sflag:s0] =	ssyncadd.tile.s32 @!p0 $0x1;
	_ =	shalt  }
.Lfunc_end2:
_tile_overlayer_lowered:
.L_overlay_start_2:
0xb0: {  	(tag) =	ssettag $0x2  }
0xb1: {  	s0 =	rddreg [dreg:$0x0];
	s2 =	stileid.u32  }
0xb2: {  	s1 =	rddreg [dreg:$0x1];
	p0 =	sne.s32 s2, $0x0  }
0xb3: {  	s3 =	rddreg [dreg:$0x2];
	[bflag:$0x3] =	sbarrier.arrive $0xFFFF;
	s2 =	simm.s32 @!p0 $0x1C02  }
0xb4: {  	[timem:s3], [sflag:s2] =	dma.local @!p0 [hbm:s0], s1  }
0xb5: {  	s0 =	simm.s32 @!p0 $0x2  }
0xb6: {  	_ =	swait.ge @!p0 [sflag:s0], s1  }
0xb7: {  	s1 =	ssub.s32 @!p0 $0x0, s1;
	[sflag:s0] =	ssyncset.done @!p0 $0x0  }
0xb8: {  	[sflag:s0] =	ssyncadd.s32 @!p0 s1  }
0xb9: {  	[bflag:$0x3] =	sbarrier.arrive $0xFFFF  }
0xba: {  	_ =	shalt  }

// kernel: sparse-core-data-format-call.cloned.1.call-start
scs
called_computation_lowered:
.L_overlay_start_0:
0x0: {  	s2 =	sld [smem:$0x3FD9]  }
0x1: {  	s3 =	sld [smem:$0x3FFE];
	_ =	sdelay $0x1  }
0x2: {  	s1 =	srdreg.scid  }
0x3: {  	s0 =	sand.u32 $0x1, s1  }
0x4: {  	s18 =	sshll.u32 s0, $0xA;
	s2 =	sadd.s32 s3, s2  }
0x5: {  	s2 =	sadd.s32 s2, s18  }
0x6: {  	[smem:$0x3FC6] =	sst s2  }
0x7: {  	_ = 	snop  }
0x8: {  	s2 =	sld [smem:$0x3FD0];
	(tm) =	ssettm $0x1  }
0x9: {  	s19 =	sld [smem:$0x3FFB];
	_ =	sdelay $0x3  }
0xa: {  	_ =	strace s19  }
0xb: {  	s3 =	sld [smem:$0x3FFC];
	_ =	sdelay $0x3  }
0xc: {  	_ =	strace s3  }
0xd: {  	s3 =	sld [smem:$0x3FFD];
	_ =	sdelay $0x3  }
0xe: {  	_ =	strace s3  }
0xf: {  	_ =	strace $0x8FFFFFFF  }
0x10: {  	s20 =	sld [smem:$0x3FDB];
	_ =	sdelay $0x1  }
0x11: {  	s4 =	simm.s32 $_scs_section_size  }
0x12: {  	s5 =	simm.s32 $_size__tile_overlayer_lowered;
	s6 =	simm.s32 $_tile_overlayer_lowered  }
0x13: {  	s23 =	simm.s32 $0x1BFF;
	s22 =	sshll.u32 s6, $0x1;
	s3 =	sadd.s32 s4, s20  }
0x14: {  	s7 =	simm.s32 $0x0;
	s21 =	sshll.u32 s5, $0x1;
	s5 =	sadd.s32 s22, s3  }
0x15: {  	[timem:s7], [sflag:s23] =	dma.local [hbm:s5], s21  }
0x16: {  	_ =	swait.ge [sflag:s23], s21  }
0x17: {  	s4 =	ssub.s32 $0x0, s21;
	[sflag:s23] =	ssyncset.done $0x0  }
0x18: {  	[sflag:s23] =	ssyncadd.s32 s4;
	_ =	sdelay $0x1  }
0x19: {  	s24 =	simm.s32 $0x1B8B  }
0x1a: {  	_ =	swait.ge [sflag:s24], $0x1  }
0x1b: {  	[sflag:s24] =	ssyncset.done $0x0  }
0x1c: {  	s26 =	simm.s32 $0x1B8E;
	s25 =	sld [smem:$0x3FFE];
	[sflag:s24] =	ssyncadd.s32 $0xFFFFFFFF  }
0x1d: {  	s27 =	simm.s32 $execute0_lowered;
	[smem:$0x3FD2] =	sst s26  }
0x1e: {  	s5 =	sshll.u32 s27, $0x1;
	_ =	strace $0x80000049;
	[dreg:$0x1] =	wrdreg $0xFFFFFFFF  }
0x1f: {  	s28 =	simm.s32 $_size_execute0_lowered;
	s3 =	sadd.s32 s3, s5;
	[dreg:$0x0] =	wrdreg $0x0  }
0x20: {  	s5 =	sshll.u32 s28, $0x1;
	[dreg:$0x2] =	wrdreg s3  }
0x21: {  	[dreg:$0x3] =	wrdreg s5  }
0x22: {  	[dreg:$0x4] =	wrdreg $0xC0  }
0x23: {  	_ =	task [dreg:s7], $0x5FFFF  }
0x24: {  	[dreg:$0x1] =	wrdreg $0xFFFFFFFF  }
0x25: {  	[dreg:$0x0] =	wrdreg $0x60  }
0x26: {  	[dreg:$0x2] =	wrdreg s25  }
0x27: {  	[dreg:$0x3] =	wrdreg s2  }
0x28: {  	[dreg:$0x4] =	wrdreg $0x9  }
0x29: {  	_ =	task.clear_ibuf [dreg:s7], $0x5FFFF;
	_ =	strace $0x90000049  }
0x2a: {  	s29 =	simm.s32 $0x9;
	_ =	strace $0x8000004B  }
0x2b: {  	_ =	swait.ge [sflag:s29], $0x1  }
0x2c: {  	[sflag:s29] =	ssyncadd.s32 $0xFFFFFFFF  }
0x2d: {  	_ =	strace $0x9000004B  }
0x2e: {  	_ =	sfence  }
0x2f: {  	s30 =	sld [smem:$0x0];
	_ =	sdelay $0x2  }
0x30: {  	s31 =	sshll.u32 s1, $0xD;
	s1 =	sshrl.u32 s1, $0x2  }
0x31: {  	s3 =	sand.u32 $0x4000, s31;
	s1 =	sadd.s32 s1, s30  }
0x32: {  	s0 =	sor.u32 s3, s0;
	s1 =	sshll.u32 s1, $0x11  }
0x33: {  	s0 =	sor.u32 s1, s0  }
0x34: {  	s0 =	sadd.s32 $0x8F2B, s0  }
0x35: {  	[sflag:s0] =	ssyncadd.remote.s32 $0x1  }
0x36: {  	_ =	sfence.sel $0xFFFF  }
0x37: {  	[dreg:$0x0] =	wrdreg $0xFFFFFFFF;
	(pc) =	sbr.abs _section_cstart, $3  }
0x38: {  	[dreg:$0x1] =	wrdreg $0xFFFFFFFF  }
0x39: {  	_ =	task.clear_ibuf [dreg:s7], $0x2FFFF;
	_ =	strace $0x9FFFFFFF  }
0x3a: {  	(tm) =	ssettm $0x7FFFFFFF  }
0x3b: {  	_ =	shalt  }
tec
execute0_lowered:
.L_overlay_start_1:
0x0: {  	(tag) =	ssettag $0x1  }
0x1: {  	s0 =	srdreg.scid  }
0x2: {  	s1 =	sshll.u32 s0, $0x4  }
0x3: {  	s0 =	stileid.u32;
	s1 =	sand.u32 $0x10, s1  }
0x4: {  	s1 =	sor.u32 s0, s1  }
0x5: {  	s6 =	rddreg [dreg:$0x0];
	s4 =	simm.s32 $0x1;
	s2 =	sshll.u32 s1, $0x6  }
0x6: {  	s7 =	simm.s32 $0x2;
	s13 =	simm.s32 $0x0;
	s1 =	ssub.s32 $0x1000, s2  }
0x7: {  	s8 =	simm.s32 $0x2000;
	s9 =	simm.s32 $0x80000;
	s3 =	sand.u32 $0x7C0, s1  }
0x8: {  	s14 =	simm.s32 $0x0;
	s5 =	sshrl.u32 s1, $0xB;
	p0 =	sne.s32 s3, $0x0  }
.Ltmp0:
0x9: {  	s1 =	rddreg [dreg:$0x2];
	s4 =	simm.s32 @!p0 $0x0;
	(pc) =	sbr.rel .LBB1_1-.Ltmp0, $4  }
0xa: {  	s10 =	simm.s32 $0x0;
	s3 =	rddreg [dreg:$0x1];
	s5 =	sadd.s32 s4, s5  }
0xb: {  	_ =	strace $0x8000004A;
	s4 =	simm.s32 $0x1;
	s5 =	smul.u32 $0x19, s5  }
0xc: {  	s12 =	simm.s32 $0x0;
	s6 =	sadd.s32 $0x800, s6;
	[sflag:s4] =	ssyncpa.u1 $0x0  }
0xd: {  	s11 =	smov.u32 s2;
	[sflag:s7] =	ssyncpa.u1 $0x0;
	s7 =	sadd.s32 $0x1, s5  }
.LBB1_7:
0xe: {  	s15 =	sadd.s32 $0x2, s10  }
0xf: {  	s13 =	sadd.s32 $0x800, s11;
	s17 =	smov.u32 s11;
	p1 =	sgt.s32 s15, $0x31  }
0x10: {  	s17 =	smov.u32 @p1 s13  }
0x11: {  	s15 =	simm.s32 @p1 $0x0;
	p1 =	sgt.s32 s17, $0xFFF  }
0x12: {  	s17 =	smov.u32 @p1 s2;
	p1 =	sne.s32 s12, s7  }
.Ltmp1:
0x13: {  	p0 =	slt.u32 s12, $0x2;
	(pc) =	sbr.rel @!p1 .LBB1_8-.Ltmp1, $4  }
0x14: {  	s16 =	simm.s32 @!p0 $0x2  }
0x15: {  	s14 =	smov.u32 s11;
	_ =	swait.ge @!p0 [sflag:s16], $0x4000  }
0x16: {  	s13 =	smov.u32 s10;
	[sflag:s16] =	ssyncset.done @!p0 $0x0;
	s10 =	smov.u32 s15  }
0x17: {  	s12 =	sadd.s32 $0x1, s12;
	[sflag:s16] =	ssyncadd.s32 @!p0 $0xFFFFC000;
	s11 =	smov.u32 s17  }
.LBB1_1:
0x18: {  	p0 =	sge.u32 s12, s5  }
0x19: {  	s15 =	sand.u32 @!p0 $0x1FFFFFF, s10  }
0x1a: {  	s16 =	smulhi.u32 @!p0 $0x4924925, s15;
	_ =	sdelay $0x1  }
0x1b: {  	s16 =	smul.u32 @!p0 $0x38, s16  }
0x1c: {  	s17 =	sxor.u32 @!p0 $0xFFFFFFFF, s12;
	s18 =	smul.u32 @!p0 $0x380, s11  }
0x1d: {  	s31 =	sadd.s32 $0xFFFFFFFF, s12;
	s17 =	sshll.u32 @!p0 s17, $0xE;
	s15 =	ssub.s32 @!p0 s15, s16  }
0x1e: {  	s16 =	sand.u32 @!p0 $0x4000, s17;
	s17 =	sadd.s32 @!p0 s6, s18;
	s15 =	sshll.u32 @!p0 s15, $0x4  }
0x1f: {  	s18 =	simm.s32 @!p0 $0x1C00;
	s15 =	sadd.s32 @!p0 s15, s17;
	s17 =	simm.s32 @!p0 $0x100  }
0x20: {  	[tilespmem:s16], [sflag:$0x1] =	stream.strided.gather @!p0 [hbm4b:s15+s17], $0x4000, s18, s17, $0x38;
	[tilespmem:$0x10000] =	vst v63  }
0x21: {  	p0 =	sge.u32 s31, s5  }
.Ltmp2:
0x22: {  	_ = 	snop;
	(pc) =	sbr.rel @p0 .LBB1_7-.Ltmp2, $1  }
0x23: {  	_ =	sdelay $0x3  }
0x24: {  	_ =	swait.ge [sflag:s4], $0x4000;
	s15 =	sshll.u32 s12, $0xE  }
0x25: {  	[sflag:s4] =	ssyncset.done $0x0;
	s16 =	sand.u32 $0x4000, s15  }
0x26: {  	s17 =	simm.s32 $0x0;
	[sflag:s4] =	ssyncadd.s32 $0xFFFFC000;
	s15 =	sor.u32 $0x8000, s16  }
.LBB1_3:
0x27: {  	s18 =	sshll.u32 s17, $0x8  }
0x28: {  	s18 =	sand.u32 $0x3FFFFF00, s18  }
0x29: {  	s19 =	sshll.u32 s17, $0x7;
	s18 =	sadd.s32 s18, s16  }
0x2a: {  	s19 =	sand.u32 $0x3FFFFF80, s19;
	v0 =	vmov s18  }
0x2b: {  	s19 =	sadd.s32 s19, s15  }
0x2c: {  	p0 =	por $0x1, $0x1;
	v1 =	vmov s19;
	s18 =	simm.s32 $0x0  }
.LBB1_4:
0x2d: {  	s19 =	sshll.u32 s18, $0x7  }
0x2e: {  	s19 =	sand.u32 $0x3FFFFF80, s19  }
0x2f: {  	v2 =	vld.idx.msk [tilespmem:v0+s19+$0x0 ss:$0x1], $0xffff  }
0x30: {  	v3 =	vld.idx.msk [tilespmem:v0+s19+$0x10 ss:$0x1], $0xffff  }
0x31: {  	v4 =	vld.idx.msk [tilespmem:v0+s19+$0x20 ss:$0x1], $0xffff  }
0x32: {  	s31 =	sshll.u32 s18, $0xD;
	v5 =	vld.idx.msk [tilespmem:v0+s19+$0x30 ss:$0x1], $0xffff  }
0x33: {  	s18 =	sand.u32 $0x3FFFE000, s31;
	v6 =	vld.idx.msk [tilespmem:v0+s19+$0x40 ss:$0x1], $0xffff  }
0x34: {  	v63 =	vld.idx.msk [tilespmem:v0+s19+$0x70 ss:$0x1], $0xffff;
	[tilespmem:v1+s18+$0x0 ss:$0x1] =	vst.idx.msk $0xffff, v2  }
0x35: {  	v2 =	vld.idx.msk [tilespmem:v0+s19+$0x50 ss:$0x1], $0xffff;
	[tilespmem:v1+s18+$0x10 ss:$0x1] =	vst.idx.msk $0xffff, v3  }
0x36: {  	p1 =	por p0, p0;
	v3 =	vld.idx.msk [tilespmem:v0+s19+$0x60 ss:$0x1], $0xffff;
	[tilespmem:v1+s18+$0x20 ss:$0x1] =	vst.idx.msk $0xffff, v4  }
.Ltmp3:
0x37: {  	[tilespmem:v1+s18+$0x30 ss:$0x1] =	vst.idx.msk $0xffff, v5;
	(pc) =	sbr.rel @p1 .LBB1_4-.Ltmp3, $4  }
0x38: {  	[tilespmem:v1+s18+$0x40 ss:$0x1] =	vst.idx.msk $0xffff, v6  }
0x39: {  	[tilespmem:v1+s18+$0x70 ss:$0x1] =	vst.idx.msk $0xffff, v63  }
0x3a: {  	[tilespmem:v1+s18+$0x50 ss:$0x1] =	vst.idx.msk $0xffff, v2  }
0x3b: {  	p0 =	por $0x0, $0x0;
	[tilespmem:v1+s18+$0x60 ss:$0x1] =	vst.idx.msk $0xffff, v3;
	s18 =	simm.s32 $0x1  }
0x3c: {  	s17 =	sadd.s32 $0x1, s17  }
0x3d: {  	p0 =	sne.s32 s17, $0x40  }
.Ltmp4:
0x3e: {  	_ = 	snop;
	(pc) =	sbr.rel @p0 .LBB1_3-.Ltmp4, $1  }
0x3f: {  	_ =	sdelay $0x3  }
.Ltmp5:
0x40: {  	s14 =	sshll.u32 s14, $0x4;
	(pc) =	sbr.rel .LBB1_7-.Ltmp5, $4  }
0x41: {  	s14 =	sand.u32 $0xFFF0, s14  }
0x42: {  	s13 =	sshll.u32 s13, $0x10;
	s14 =	sadd.s32 s3, s14  }
0x43: {  	s13 =	sadd.s32 s13, s14  }
0x44: {  	[hbm4b:s13+s8] =	stream.strided.scatter [tilespmem:s15], [sflag:$0x2], $0x4000, s9, s8, $0x38;
	[tilespmem:$0x10000] =	vst v63  }
.LBB1_8:
0x45: {  	_ =	sfence.sel $0x180000  }
0x46: {  	s2 =	simm.s32 $0x1;
	[bflag:$0x0] =	sbarrier.arrive $0xFFFF  }
0x47: {  	s31 =	simm.s32 $0x2;
	[sflag:s2] =	ssyncpa.u1 $0x1  }
0x48: {  	[sflag:s31] =	ssyncpa.u1 $0x1  }
0x49: {  	p0 =	sne.s32 s0, $0x0;
	_ =	strace $0x9000004A  }
0x4a: {  	s0 =	sadd.s32 @!p0 $0x100000, s1;
	[bflag:$0x2] =	sbarrier.arrive $0xFFFF  }
0x4b: {  	[sflag:s0] =	ssyncadd.tile.s32 @!p0 $0x1;
	_ =	shalt  }
.Lfunc_end1:
_tile_overlayer_lowered:
.L_overlay_start_2:
0x4c: {  	(tag) =	ssettag $0x2  }
0x4d: {  	s0 =	rddreg [dreg:$0x0];
	s2 =	stileid.u32  }
0x4e: {  	s1 =	rddreg [dreg:$0x1];
	p0 =	sne.s32 s2, $0x0  }
0x4f: {  	s3 =	rddreg [dreg:$0x2];
	[bflag:$0x3] =	sbarrier.arrive $0xFFFF;
	s2 =	simm.s32 @!p0 $0x1C01  }
0x50: {  	[timem:s3], [sflag:s2] =	dma.local @!p0 [hbm:s0], s1  }
0x51: {  	s0 =	simm.s32 @!p0 $0x1  }
0x52: {  	_ =	swait.ge @!p0 [sflag:s0], s1  }
0x53: {  	s1 =	ssub.s32 @!p0 $0x0, s1;
	[sflag:s0] =	ssyncset.done @!p0 $0x0  }
0x54: {  	[sflag:s0] =	ssyncadd.s32 @!p0 s1  }
0x55: {  	[bflag:$0x3] =	sbarrier.arrive $0xFFFF  }
0x56: {  	_ =	shalt  }

</sc_bundles>
